<compile_context>
chip_gen: v7x
topology: tpu7x:2x2x1
jax: 0.10.2.dev20260603
libtpu: 0.0.44.dev20260713+nightly
codegen_flags: <defaults>
</compile_context>

<pallas_src>
import functools

import jax
import jax.numpy as jnp
from jax import lax
from jax.experimental import pallas as pl
from jax.experimental.pallas import tpu as pltpu
from jax.experimental.pallas import tpu_sc as plsc

NUM_CORES = 2
NUM_SUBCORES = 16
NUM_WORKERS = NUM_CORES * NUM_SUBCORES
CHUNK = 128
NBUF = 2


@functools.partial(jax.jit, static_argnums=(2, 3))
def _embed_lookup(idx, table, n_chunks, d_model):
    n_rows = NUM_WORKERS * n_chunks * CHUNK
    mesh = plsc.VectorSubcoreMesh(core_axis_name="c", subcore_axis_name="s")

    @functools.partial(
        pl.kernel,
        mesh=mesh,
        out_type=jax.ShapeDtypeStruct((n_rows, d_model), jnp.float32),
        scratch_types=[
            pltpu.VMEM((n_chunks, CHUNK), jnp.int32),
            pltpu.VMEM((NBUF, CHUNK, d_model), jnp.float32),
            pltpu.SemaphoreType.DMA,
            pltpu.SemaphoreType.DMA,
            pltpu.SemaphoreType.DMA,
            pltpu.SemaphoreType.DMA,
        ],
    )
    def k(idx_hbm, table_hbm, out_hbm, idx_v, rows_v, g0, g1, s0, s1):
        wid = lax.axis_index("s") * NUM_CORES + lax.axis_index("c")
        pltpu.sync_copy(idx_hbm.at[wid], idx_v)
        base = wid * (n_chunks * CHUNK)
        gsems = (g0, g1)
        ssems = (s0, s1)

        def start_gather(j, b):
            pltpu.async_copy(table_hbm.at[idx_v.at[j]], rows_v.at[b], gsems[b])

        def wait_gather(b):
            pltpu.make_async_copy(
                table_hbm.at[idx_v.at[0]], rows_v.at[b], gsems[b]
            ).wait()

        def start_store(j, b):
            pltpu.async_copy(
                rows_v.at[b], out_hbm.at[pl.ds(base + j * CHUNK, CHUNK)], ssems[b]
            )

        def wait_store(b):
            pltpu.make_async_copy(
                rows_v.at[b], out_hbm.at[pl.ds(base, CHUNK)], ssems[b]
            ).wait()

        for b in range(NBUF):
            start_gather(b, b)

        def body(i, carry):
            j0 = i * NBUF
            for b in range(NBUF):
                j = j0 + b
                wait_gather(b)
                start_store(j, b)
                wait_store(b)

                @pl.when(j + NBUF < n_chunks)
                def _():
                    start_gather(j + NBUF, b)

            return carry

        lax.fori_loop(0, n_chunks // NBUF, body, 0)

    return k(idx, table)


def kernel(labels, label_embed_weight):
    b, s = labels.shape
    v, d = label_embed_weight.shape
    n_chunks = (b * s) // (NUM_WORKERS * CHUNK)
    idx = labels.astype(jnp.int32).reshape(NUM_WORKERS, n_chunks, CHUNK)
    out = _embed_lookup(idx, label_embed_weight, n_chunks, d)
    return out.reshape(b, s, d)

# --- scband reference (transcript-rebuilt; emitter-appended) ---
"""Pipeline reference for scband-text-ops-670014898596 (READ-ONLY COPY).

The authoritative reference and input builder live on the scoring server;
editing this copy changes nothing except your own understanding.
"""

import jax, jax.numpy as jnp
import numpy as np

NUM_EMBEDDINGS = 100000
D_MODEL = 128

def setup_inputs(seed: int = 0) -> dict:
    key = jax.random.key(seed)
    k_idx, k_w = jax.random.split(key)
    labels = jax.random.randint(k_idx, (4096, 50), 0, NUM_EMBEDDINGS, dtype=jnp.int64 if jax.config.jax_enable_x64 else jnp.int32)
    label_embed_weight = jax.random.normal(k_w, (NUM_EMBEDDINGS, D_MODEL), dtype=jnp.float32) * 0.02
    return {"labels": labels, "label_embed_weight": label_embed_weight}

def reference(labels, label_embed_weight):
    # nn.Embedding forward: gather rows of the table by index
    return jnp.take(label_embed_weight, labels, axis=0)

if __name__ == "__main__":
    import jax
    _d = setup_inputs()
    print(jax.jit(kernel)(*tuple(_d.values())))

</pallas_src>

<mosaic_0001>
#map = affine_map<(d0, d1) -> (0, 0, 0)>
#map1 = affine_map<(d0, d1) -> (0, 0)>
module attributes {stable_mosaic.version = 14 : i64} {
  func.func @k(%arg0: i32, %arg1: i32, %arg2: memref<32x50x128xi32, #tpu.memory_space<hbm>>, %arg3: memref<100000x128xf32, #tpu.memory_space<hbm>>, %arg4: memref<204800x128xf32, #tpu.memory_space<hbm>>, %arg5: memref<50x128xi32, #tpu.memory_space<vmem>>, %arg6: memref<2x128x128xf32, #tpu.memory_space<vmem>>, %arg7: memref<!tpu.dma_semaphore, #tpu.memory_space<semaphore_mem>>, %arg8: memref<!tpu.dma_semaphore, #tpu.memory_space<semaphore_mem>>, %arg9: memref<!tpu.dma_semaphore, #tpu.memory_space<semaphore_mem>>, %arg10: memref<!tpu.dma_semaphore, #tpu.memory_space<semaphore_mem>>) attributes {dimension_semantics = [#tpu.dimension_semantics<core_parallel>, #tpu.dimension_semantics<subcore_parallel>], iteration_bounds = array<i64: 2, 16>, scalar_prefetch = 0 : i64, scratch_operands = 6 : i64, tpu.core_type = #tpu.core_type<sc_vector_subcore>, window_params = [{transform_indices = #map}, {transform_indices = #map1}, {transform_indices = #map1}]} {
    %mul3A = arith.constant 2 : i32
    %mul3A_0 = arith.muli %arg1, %mul3A : i32
    %add3A = arith.addi %mul3A_0, %arg0 : i32
    "tpu.region"() ({
      %run_scoped3A = tpu.sem_alloc : memref<!tpu.dma_semaphore, #tpu.memory_space<semaphore_mem>>
      %dma_start3A_31 = arith.constant 0 : i32
      %dma_start3A_32 = arith.constant 0 : i32
      %dma_start3A_33 = tpu.memref_slice %arg2[%add3A, %dma_start3A_31, %dma_start3A_32] : memref<32x50x128xi32, #tpu.memory_space<hbm>> -> memref<1x50x128xi32, #tpu.memory_space<hbm>>
      %dma_start3A_34 = tpu.memref_squeeze %dma_start3A_33 : memref<1x50x128xi32, #tpu.memory_space<hbm>> -> memref<50x128xi32, #tpu.memory_space<hbm>>
      %dma_start3A_35 = arith.constant 0 : i32
      %dma_start3A_36 = arith.constant 0 : i32
      %dma_start3A_37 = tpu.memref_slice %arg2[%add3A, %dma_start3A_35, %dma_start3A_36] : memref<32x50x128xi32, #tpu.memory_space<hbm>> -> memref<1x50x128xi32, #tpu.memory_space<hbm>>
      %dma_start3A_38 = tpu.memref_squeeze %dma_start3A_37 : memref<1x50x128xi32, #tpu.memory_space<hbm>> -> memref<50x128xi32, #tpu.memory_space<hbm>>
      tpu.enqueue_dma source(%dma_start3A_38 : memref<50x128xi32, #tpu.memory_space<hbm>>) target(%arg5 : memref<50x128xi32, #tpu.memory_space<vmem>>) target_semaphore(%run_scoped3A : memref<!tpu.dma_semaphore, #tpu.memory_space<semaphore_mem>>)
      %dma_wait3A = arith.constant 0 : i32
      %dma_wait3A_39 = arith.constant 0 : i32
      %dma_wait3A_40 = tpu.memref_slice %arg2[%add3A, %dma_wait3A, %dma_wait3A_39] : memref<32x50x128xi32, #tpu.memory_space<hbm>> -> memref<1x50x128xi32, #tpu.memory_space<hbm>>
      %dma_wait3A_41 = tpu.memref_squeeze %dma_wait3A_40 : memref<1x50x128xi32, #tpu.memory_space<hbm>> -> memref<50x128xi32, #tpu.memory_space<hbm>>
      %dma_wait3A_42 = arith.constant 0 : i32
      %dma_wait3A_43 = arith.constant 0 : i32
      %dma_wait3A_44 = tpu.memref_slice %arg2[%add3A, %dma_wait3A_42, %dma_wait3A_43] : memref<32x50x128xi32, #tpu.memory_space<hbm>> -> memref<1x50x128xi32, #tpu.memory_space<hbm>>
      %dma_wait3A_45 = tpu.memref_squeeze %dma_wait3A_44 : memref<1x50x128xi32, #tpu.memory_space<hbm>> -> memref<50x128xi32, #tpu.memory_space<hbm>>
      tpu.wait_dma2 semaphore(%run_scoped3A : memref<!tpu.dma_semaphore, #tpu.memory_space<semaphore_mem>>) src(%dma_wait3A_45 : memref<50x128xi32, #tpu.memory_space<hbm>>) dst(%arg5 : memref<50x128xi32, #tpu.memory_space<vmem>>)
      tpu.yield
    }) : () -> ()
    %mul3A_1 = arith.constant 6400 : i32
    %mul3A_2 = arith.muli %add3A, %mul3A_1 : i32
    %dma_start3A = arith.constant 0 : i32
    %dma_start3A_3 = arith.constant 0 : i32
    %dma_start3A_4 = arith.constant 0 : i32
    %dma_start3A_5 = arith.constant 0 : i32
    %dma_start3A_6 = tpu.memref_slice %arg6[%dma_start3A_3, %dma_start3A_4, %dma_start3A_5] : memref<2x128x128xf32, #tpu.memory_space<vmem>> -> memref<1x128x128xf32, #tpu.memory_space<vmem>>
    %dma_start3A_7 = tpu.memref_squeeze %dma_start3A_6 : memref<1x128x128xf32, #tpu.memory_space<vmem>> -> memref<128x128xf32, #tpu.memory_space<vmem>>
    %dma_start3A_8 = arith.constant 0 : i32
    %dma_start3A_9 = tpu.memref_slice %arg5[%dma_start3A, %dma_start3A_8] : memref<50x128xi32, #tpu.memory_space<vmem>> -> memref<1x128xi32, #tpu.memory_space<vmem>>
    %dma_start3A_10 = tpu.memref_squeeze %dma_start3A_9 : memref<1x128xi32, #tpu.memory_space<vmem>> -> memref<128xi32, #tpu.memory_space<vmem>>
    %dma_start3A_11 = arith.constant 0 : i32
    %dma_start3A_12 = arith.constant 0 : i32
    %dma_start3A_13 = tpu.memref_slice %arg3[%dma_start3A_11, %dma_start3A_12] : memref<100000x128xf32, #tpu.memory_space<hbm>> -> memref<100000x128xf32, #tpu.memory_space<hbm>>
    tpu.enqueue_indirect_dma source(%dma_start3A_13 : memref<100000x128xf32, #tpu.memory_space<hbm>>) target(%dma_start3A_7 : memref<128x128xf32, #tpu.memory_space<vmem>>) offsets(%dma_start3A_10 : memref<128xi32, #tpu.memory_space<vmem>>) semaphore(%arg7 : memref<!tpu.dma_semaphore, #tpu.memory_space<semaphore_mem>>)
    %dma_start3A_14 = arith.constant 1 : i32
    %dma_start3A_15 = arith.constant 1 : i32
    %dma_start3A_16 = arith.constant 0 : i32
    %dma_start3A_17 = arith.constant 0 : i32
    %dma_start3A_18 = tpu.memref_slice %arg6[%dma_start3A_15, %dma_start3A_16, %dma_start3A_17] : memref<2x128x128xf32, #tpu.memory_space<vmem>> -> memref<1x128x128xf32, #tpu.memory_space<vmem>>
    %dma_start3A_19 = tpu.memref_squeeze %dma_start3A_18 : memref<1x128x128xf32, #tpu.memory_space<vmem>> -> memref<128x128xf32, #tpu.memory_space<vmem>>
    %dma_start3A_20 = arith.constant 0 : i32
    %dma_start3A_21 = tpu.memref_slice %arg5[%dma_start3A_14, %dma_start3A_20] : memref<50x128xi32, #tpu.memory_space<vmem>> -> memref<1x128xi32, #tpu.memory_space<vmem>>
    %dma_start3A_22 = tpu.memref_squeeze %dma_start3A_21 : memref<1x128xi32, #tpu.memory_space<vmem>> -> memref<128xi32, #tpu.memory_space<vmem>>
    %dma_start3A_23 = arith.constant 0 : i32
    %dma_start3A_24 = arith.constant 0 : i32
    %dma_start3A_25 = tpu.memref_slice %arg3[%dma_start3A_23, %dma_start3A_24] : memref<100000x128xf32, #tpu.memory_space<hbm>> -> memref<100000x128xf32, #tpu.memory_space<hbm>>
    tpu.enqueue_indirect_dma source(%dma_start3A_25 : memref<100000x128xf32, #tpu.memory_space<hbm>>) target(%dma_start3A_19 : memref<128x128xf32, #tpu.memory_space<vmem>>) offsets(%dma_start3A_22 : memref<128xi32, #tpu.memory_space<vmem>>) semaphore(%arg8 : memref<!tpu.dma_semaphore, #tpu.memory_space<semaphore_mem>>)
    %scan3A = arith.constant 0 : i32
    %scan3A_26 = arith.constant 0 : i32
    %scan3A_27 = arith.constant 25 : i32
    %scan3A_28 = arith.addi %scan3A_26, %scan3A_27 : i32
    %scan3A_29 = arith.constant 1 : i32
    scf.for %scan3A_31 = %scan3A_26 to %scan3A_28 step %scan3A_29  : i32 {
      %mul3A_32 = arith.constant 2 : i32
      %mul3A_33 = arith.muli %scan3A_31, %mul3A_32 : i32
      %add3A_34 = arith.constant 0 : i32
      %add3A_35 = arith.addi %mul3A_33, %add3A_34 : i32
      %dma_wait3A = arith.constant 0 : i32
      %dma_wait3A_36 = arith.constant 0 : i32
      %dma_wait3A_37 = arith.constant 0 : i32
      %dma_wait3A_38 = arith.constant 0 : i32
      %dma_wait3A_39 = tpu.memref_slice %arg6[%dma_wait3A_36, %dma_wait3A_37, %dma_wait3A_38] : memref<2x128x128xf32, #tpu.memory_space<vmem>> -> memref<1x128x128xf32, #tpu.memory_space<vmem>>
      %dma_wait3A_40 = tpu.memref_squeeze %dma_wait3A_39 : memref<1x128x128xf32, #tpu.memory_space<vmem>> -> memref<128x128xf32, #tpu.memory_space<vmem>>
      %dma_wait3A_41 = arith.constant 0 : i32
      %dma_wait3A_42 = tpu.memref_slice %arg5[%dma_wait3A, %dma_wait3A_41] : memref<50x128xi32, #tpu.memory_space<vmem>> -> memref<1x128xi32, #tpu.memory_space<vmem>>
      %dma_wait3A_43 = tpu.memref_squeeze %dma_wait3A_42 : memref<1x128xi32, #tpu.memory_space<vmem>> -> memref<128xi32, #tpu.memory_space<vmem>>
      %dma_wait3A_44 = arith.constant 0 : i32
      %dma_wait3A_45 = arith.constant 0 : i32
      %dma_wait3A_46 = tpu.memref_slice %arg3[%dma_wait3A_44, %dma_wait3A_45] : memref<100000x128xf32, #tpu.memory_space<hbm>> -> memref<100000x128xf32, #tpu.memory_space<hbm>>
      tpu.wait_indirect_dma semaphore(%arg7 : memref<!tpu.dma_semaphore, #tpu.memory_space<semaphore_mem>>) src(%dma_wait3A_46 : memref<100000x128xf32, #tpu.memory_space<hbm>>) dst(%dma_wait3A_40 : memref<128x128xf32, #tpu.memory_space<vmem>>)
      %mul3A_47 = arith.constant 128 : i32
      %mul3A_48 = arith.muli %add3A_35, %mul3A_47 : i32
      %add3A_49 = arith.addi %mul3A_2, %mul3A_48 : i32
      %dma_start3A_50 = arith.constant 0 : i32
      %dma_start3A_51 = arith.constant 0 : i32
      %dma_start3A_52 = arith.constant 0 : i32
      %dma_start3A_53 = tpu.memref_slice %arg6[%dma_start3A_50, %dma_start3A_51, %dma_start3A_52] : memref<2x128x128xf32, #tpu.memory_space<vmem>> -> memref<1x128x128xf32, #tpu.memory_space<vmem>>
      %dma_start3A_54 = tpu.memref_squeeze %dma_start3A_53 : memref<1x128x128xf32, #tpu.memory_space<vmem>> -> memref<128x128xf32, #tpu.memory_space<vmem>>
      %dma_start3A_55 = arith.constant 0 : i32
      %dma_start3A_56 = tpu.memref_slice %arg4[%add3A_49, %dma_start3A_55] : memref<204800x128xf32, #tpu.memory_space<hbm>> -> memref<128x128xf32, #tpu.memory_space<hbm>>
      %dma_start3A_57 = arith.constant 0 : i32
      %dma_start3A_58 = tpu.memref_slice %arg4[%add3A_49, %dma_start3A_57] : memref<204800x128xf32, #tpu.memory_space<hbm>> -> memref<128x128xf32, #tpu.memory_space<hbm>>
      %dma_start3A_59 = arith.constant 0 : i32
      %dma_start3A_60 = arith.constant 0 : i32
      %dma_start3A_61 = tpu.memref_slice %arg6[%dma_start3A_50, %dma_start3A_59, %dma_start3A_60] : memref<2x128x128xf32, #tpu.memory_space<vmem>> -> memref<1x128x128xf32, #tpu.memory_space<vmem>>
      %dma_start3A_62 = tpu.memref_squeeze %dma_start3A_61 : memref<1x128x128xf32, #tpu.memory_space<vmem>> -> memref<128x128xf32, #tpu.memory_space<vmem>>
      tpu.enqueue_dma source(%dma_start3A_62 : memref<128x128xf32, #tpu.memory_space<vmem>>) target(%dma_start3A_58 : memref<128x128xf32, #tpu.memory_space<hbm>>) target_semaphore(%arg9 : memref<!tpu.dma_semaphore, #tpu.memory_space<semaphore_mem>>)
      %dma_wait3A_63 = arith.constant 0 : i32
      %dma_wait3A_64 = arith.constant 0 : i32
      %dma_wait3A_65 = arith.constant 0 : i32
      %dma_wait3A_66 = tpu.memref_slice %arg6[%dma_wait3A_63, %dma_wait3A_64, %dma_wait3A_65] : memref<2x128x128xf32, #tpu.memory_space<vmem>> -> memref<1x128x128xf32, #tpu.memory_space<vmem>>
      %dma_wait3A_67 = tpu.memref_squeeze %dma_wait3A_66 : memref<1x128x128xf32, #tpu.memory_space<vmem>> -> memref<128x128xf32, #tpu.memory_space<vmem>>
      %dma_wait3A_68 = arith.constant 0 : i32
      %dma_wait3A_69 = tpu.memref_slice %arg4[%mul3A_2, %dma_wait3A_68] : memref<204800x128xf32, #tpu.memory_space<hbm>> -> memref<128x128xf32, #tpu.memory_space<hbm>>
      %dma_wait3A_70 = arith.constant 0 : i32
      %dma_wait3A_71 = tpu.memref_slice %arg4[%mul3A_2, %dma_wait3A_70] : memref<204800x128xf32, #tpu.memory_space<hbm>> -> memref<128x128xf32, #tpu.memory_space<hbm>>
      %dma_wait3A_72 = arith.constant 0 : i32
      %dma_wait3A_73 = arith.constant 0 : i32
      %dma_wait3A_74 = tpu.memref_slice %arg6[%dma_wait3A_63, %dma_wait3A_72, %dma_wait3A_73] : memref<2x128x128xf32, #tpu.memory_space<vmem>> -> memref<1x128x128xf32, #tpu.memory_space<vmem>>
      %dma_wait3A_75 = tpu.memref_squeeze %dma_wait3A_74 : memref<1x128x128xf32, #tpu.memory_space<vmem>> -> memref<128x128xf32, #tpu.memory_space<vmem>>
      tpu.wait_dma2 semaphore(%arg9 : memref<!tpu.dma_semaphore, #tpu.memory_space<semaphore_mem>>) src(%dma_wait3A_75 : memref<128x128xf32, #tpu.memory_space<vmem>>) dst(%dma_wait3A_71 : memref<128x128xf32, #tpu.memory_space<hbm>>)
      %add3A_76 = arith.constant 2 : i32
      %add3A_77 = arith.addi %add3A_35, %add3A_76 : i32
      %lt3A = arith.constant 50 : i32
      %lt3A_78 = arith.cmpi slt, %add3A_77, %lt3A : i32
      %convert_element_type3A = arith.extui %lt3A_78 : i1 to i32
      %cond3A = arith.constant 0 : i32
      %cond3A_79 = arith.cmpi ne, %convert_element_type3A, %cond3A : i32
      scf.if %cond3A_79 {
        %add3A_130 = arith.constant 2 : i32
        %add3A_131 = arith.addi %add3A_35, %add3A_130 : i32
        %dma_start3A_132 = arith.constant 0 : i32
        %dma_start3A_133 = arith.constant 0 : i32
        %dma_start3A_134 = arith.constant 0 : i32
        %dma_start3A_135 = tpu.memref_slice %arg6[%dma_start3A_132, %dma_start3A_133, %dma_start3A_134] : memref<2x128x128xf32, #tpu.memory_space<vmem>> -> memref<1x128x128xf32, #tpu.memory_space<vmem>>
        %dma_start3A_136 = tpu.memref_squeeze %dma_start3A_135 : memref<1x128x128xf32, #tpu.memory_space<vmem>> -> memref<128x128xf32, #tpu.memory_space<vmem>>
        %dma_start3A_137 = arith.constant 0 : i32
        %dma_start3A_138 = tpu.memref_slice %arg5[%add3A_131, %dma_start3A_137] : memref<50x128xi32, #tpu.memory_space<vmem>> -> memref<1x128xi32, #tpu.memory_space<vmem>>
        %dma_start3A_139 = tpu.memref_squeeze %dma_start3A_138 : memref<1x128xi32, #tpu.memory_space<vmem>> -> memref<128xi32, #tpu.memory_space<vmem>>
        %dma_start3A_140 = arith.constant 0 : i32
        %dma_start3A_141 = arith.constant 0 : i32
        %dma_start3A_142 = tpu.memref_slice %arg3[%dma_start3A_140, %dma_start3A_141] : memref<100000x128xf32, #tpu.memory_space<hbm>> -> memref<100000x128xf32, #tpu.memory_space<hbm>>
        tpu.enqueue_indirect_dma source(%dma_start3A_142 : memref<100000x128xf32, #tpu.memory_space<hbm>>) target(%dma_start3A_136 : memref<128x128xf32, #tpu.memory_space<vmem>>) offsets(%dma_start3A_139 : memref<128xi32, #tpu.memory_space<vmem>>) semaphore(%arg7 : memref<!tpu.dma_semaphore, #tpu.memory_space<semaphore_mem>>)
      } else {
      }
      %add3A_80 = arith.constant 1 : i32
      %add3A_81 = arith.addi %mul3A_33, %add3A_80 : i32
      %dma_wait3A_82 = arith.constant 0 : i32
      %dma_wait3A_83 = arith.constant 1 : i32
      %dma_wait3A_84 = arith.constant 0 : i32
      %dma_wait3A_85 = arith.constant 0 : i32
      %dma_wait3A_86 = tpu.memref_slice %arg6[%dma_wait3A_83, %dma_wait3A_84, %dma_wait3A_85] : memref<2x128x128xf32, #tpu.memory_space<vmem>> -> memref<1x128x128xf32, #tpu.memory_space<vmem>>
      %dma_wait3A_87 = tpu.memref_squeeze %dma_wait3A_86 : memref<1x128x128xf32, #tpu.memory_space<vmem>> -> memref<128x128xf32, #tpu.memory_space<vmem>>
      %dma_wait3A_88 = arith.constant 0 : i32
      %dma_wait3A_89 = tpu.memref_slice %arg5[%dma_wait3A_82, %dma_wait3A_88] : memref<50x128xi32, #tpu.memory_space<vmem>> -> memref<1x128xi32, #tpu.memory_space<vmem>>
      %dma_wait3A_90 = tpu.memref_squeeze %dma_wait3A_89 : memref<1x128xi32, #tpu.memory_space<vmem>> -> memref<128xi32, #tpu.memory_space<vmem>>
      %dma_wait3A_91 = arith.constant 0 : i32
      %dma_wait3A_92 = arith.constant 0 : i32
      %dma_wait3A_93 = tpu.memref_slice %arg3[%dma_wait3A_91, %dma_wait3A_92] : memref<100000x128xf32, #tpu.memory_space<hbm>> -> memref<100000x128xf32, #tpu.memory_space<hbm>>
      tpu.wait_indirect_dma semaphore(%arg8 : memref<!tpu.dma_semaphore, #tpu.memory_space<semaphore_mem>>) src(%dma_wait3A_93 : memref<100000x128xf32, #tpu.memory_space<hbm>>) dst(%dma_wait3A_87 : memref<128x128xf32, #tpu.memory_space<vmem>>)
      %mul3A_94 = arith.constant 128 : i32
      %mul3A_95 = arith.muli %add3A_81, %mul3A_94 : i32
      %add3A_96 = arith.addi %mul3A_2, %mul3A_95 : i32
      %dma_start3A_97 = arith.constant 1 : i32
      %dma_start3A_98 = arith.constant 0 : i32
      %dma_start3A_99 = arith.constant 0 : i32
      %dma_start3A_100 = tpu.memref_slice %arg6[%dma_start3A_97, %dma_start3A_98, %dma_start3A_99] : memref<2x128x128xf32, #tpu.memory_space<vmem>> -> memref<1x128x128xf32, #tpu.memory_space<vmem>>
      %dma_start3A_101 = tpu.memref_squeeze %dma_start3A_100 : memref<1x128x128xf32, #tpu.memory_space<vmem>> -> memref<128x128xf32, #tpu.memory_space<vmem>>
      %dma_start3A_102 = arith.constant 0 : i32
      %dma_start3A_103 = tpu.memref_slice %arg4[%add3A_96, %dma_start3A_102] : memref<204800x128xf32, #tpu.memory_space<hbm>> -> memref<128x128xf32, #tpu.memory_space<hbm>>
      %dma_start3A_104 = arith.constant 0 : i32
      %dma_start3A_105 = tpu.memref_slice %arg4[%add3A_96, %dma_start3A_104] : memref<204800x128xf32, #tpu.memory_space<hbm>> -> memref<128x128xf32, #tpu.memory_space<hbm>>
      %dma_start3A_106 = arith.constant 0 : i32
      %dma_start3A_107 = arith.constant 0 : i32
      %dma_start3A_108 = tpu.memref_slice %arg6[%dma_start3A_97, %dma_start3A_106, %dma_start3A_107] : memref<2x128x128xf32, #tpu.memory_space<vmem>> -> memref<1x128x128xf32, #tpu.memory_space<vmem>>
      %dma_start3A_109 = tpu.memref_squeeze %dma_start3A_108 : memref<1x128x128xf32, #tpu.memory_space<vmem>> -> memref<128x128xf32, #tpu.memory_space<vmem>>
      tpu.enqueue_dma source(%dma_start3A_109 : memref<128x128xf32, #tpu.memory_space<vmem>>) target(%dma_start3A_105 : memref<128x128xf32, #tpu.memory_space<hbm>>) target_semaphore(%arg10 : memref<!tpu.dma_semaphore, #tpu.memory_space<semaphore_mem>>)
      %dma_wait3A_110 = arith.constant 1 : i32
      %dma_wait3A_111 = arith.constant 0 : i32
      %dma_wait3A_112 = arith.constant 0 : i32
      %dma_wait3A_113 = tpu.memref_slice %arg6[%dma_wait3A_110, %dma_wait3A_111, %dma_wait3A_112] : memref<2x128x128xf32, #tpu.memory_space<vmem>> -> memref<1x128x128xf32, #tpu.memory_space<vmem>>
      %dma_wait3A_114 = tpu.memref_squeeze %dma_wait3A_113 : memref<1x128x128xf32, #tpu.memory_space<vmem>> -> memref<128x128xf32, #tpu.memory_space<vmem>>
      %dma_wait3A_115 = arith.constant 0 : i32
      %dma_wait3A_116 = tpu.memref_slice %arg4[%mul3A_2, %dma_wait3A_115] : memref<204800x128xf32, #tpu.memory_space<hbm>> -> memref<128x128xf32, #tpu.memory_space<hbm>>
      %dma_wait3A_117 = arith.constant 0 : i32
      %dma_wait3A_118 = tpu.memref_slice %arg4[%mul3A_2, %dma_wait3A_117] : memref<204800x128xf32, #tpu.memory_space<hbm>> -> memref<128x128xf32, #tpu.memory_space<hbm>>
      %dma_wait3A_119 = arith.constant 0 : i32
      %dma_wait3A_120 = arith.constant 0 : i32
      %dma_wait3A_121 = tpu.memref_slice %arg6[%dma_wait3A_110, %dma_wait3A_119, %dma_wait3A_120] : memref<2x128x128xf32, #tpu.memory_space<vmem>> -> memref<1x128x128xf32, #tpu.memory_space<vmem>>
      %dma_wait3A_122 = tpu.memref_squeeze %dma_wait3A_121 : memref<1x128x128xf32, #tpu.memory_space<vmem>> -> memref<128x128xf32, #tpu.memory_space<vmem>>
      tpu.wait_dma2 semaphore(%arg10 : memref<!tpu.dma_semaphore, #tpu.memory_space<semaphore_mem>>) src(%dma_wait3A_122 : memref<128x128xf32, #tpu.memory_space<vmem>>) dst(%dma_wait3A_118 : memref<128x128xf32, #tpu.memory_space<hbm>>)
      %add3A_123 = arith.constant 2 : i32
      %add3A_124 = arith.addi %add3A_81, %add3A_123 : i32
      %lt3A_125 = arith.constant 50 : i32
      %lt3A_126 = arith.cmpi slt, %add3A_124, %lt3A_125 : i32
      %convert_element_type3A_127 = arith.extui %lt3A_126 : i1 to i32
      %cond3A_128 = arith.constant 0 : i32
      %cond3A_129 = arith.cmpi ne, %convert_element_type3A_127, %cond3A_128 : i32
      scf.if %cond3A_129 {
        %add3A_130 = arith.constant 2 : i32
        %add3A_131 = arith.addi %add3A_81, %add3A_130 : i32
        %dma_start3A_132 = arith.constant 1 : i32
        %dma_start3A_133 = arith.constant 0 : i32
        %dma_start3A_134 = arith.constant 0 : i32
        %dma_start3A_135 = tpu.memref_slice %arg6[%dma_start3A_132, %dma_start3A_133, %dma_start3A_134] : memref<2x128x128xf32, #tpu.memory_space<vmem>> -> memref<1x128x128xf32, #tpu.memory_space<vmem>>
        %dma_start3A_136 = tpu.memref_squeeze %dma_start3A_135 : memref<1x128x128xf32, #tpu.memory_space<vmem>> -> memref<128x128xf32, #tpu.memory_space<vmem>>
        %dma_start3A_137 = arith.constant 0 : i32
        %dma_start3A_138 = tpu.memref_slice %arg5[%add3A_131, %dma_start3A_137] : memref<50x128xi32, #tpu.memory_space<vmem>> -> memref<1x128xi32, #tpu.memory_space<vmem>>
        %dma_start3A_139 = tpu.memref_squeeze %dma_start3A_138 : memref<1x128xi32, #tpu.memory_space<vmem>> -> memref<128xi32, #tpu.memory_space<vmem>>
        %dma_start3A_140 = arith.constant 0 : i32
        %dma_start3A_141 = arith.constant 0 : i32
        %dma_start3A_142 = tpu.memref_slice %arg3[%dma_start3A_140, %dma_start3A_141] : memref<100000x128xf32, #tpu.memory_space<hbm>> -> memref<100000x128xf32, #tpu.memory_space<hbm>>
        tpu.enqueue_indirect_dma source(%dma_start3A_142 : memref<100000x128xf32, #tpu.memory_space<hbm>>) target(%dma_start3A_136 : memref<128x128xf32, #tpu.memory_space<vmem>>) offsets(%dma_start3A_139 : memref<128xi32, #tpu.memory_space<vmem>>) semaphore(%arg8 : memref<!tpu.dma_semaphore, #tpu.memory_space<semaphore_mem>>)
      } else {
      }
    }
    %scan3A_30 = arith.constant 25 : i32
    return
  }
}

</mosaic_0001>

<sc_bundles>
// kernel: _embed_lookup.3.cloned.1.call-start
scs
__scs_entry_jumppad:
0x0: {  	(pc) =	sbr.rel $0x88, $3  }
0x1: {  	(tag) =	ssettag $0x0;
	lr =	simm.s32 $0x1  }
0x2: {  	[smem:$0x3F9F] =	sst lr;
	_ =	strace $0xD0000000  }
0x3: {  	_ = 	snop  }
0x4: {  	_ = 	snop  }
0x5: {  	_ = 	snop  }
0x6: {  	_ = 	snop  }
0x7: {  	_ = 	snop  }
__scs_overlays_trampoline_lowered:
0x8: {  	[smem:$0x3FAE] =	sst s0  }
0x9: {  	[smem:$0x3FAF] =	sst s1  }
0xa: {  	[smem:$0x3FB0] =	sst s2  }
0xb: {  	[smem:$0x3FB1] =	sst s3  }
0xc: {  	[smem:$0x3FB2] =	sst s4  }
0xd: {  	[smem:$0x3FB3] =	sst s5  }
0xe: {  	[smem:$0x3FB4] =	sst s6  }
0xf: {  	[smem:$0x3FB5] =	sst s7  }
0x10: {  	[smem:$0x3FB6] =	sst s8  }
0x11: {  	[smem:$0x3FB7] =	sst s9;
	s0 =	simm.s32 @!p0 $0x0  }
0x12: {  	s1 =	sld [smem:$0x3F9D];
	s0 =	simm.s32 @p0 $0x1  }
0x13: {  	[smem:$0x3FB8] =	sst s0;
	s0 =	simm.s32 @!p1 $0x0  }
0x14: {  	s2 =	sld [smem:$0x3F9C];
	s0 =	simm.s32 @p1 $0x1  }
0x15: {  	[smem:$0x3FB9] =	sst s0;
	s0 =	simm.s32 @!p2 $0x0  }
0x16: {  	s3 =	sld [smem:$0x3FDB];
	s0 =	simm.s32 @p2 $0x1  }
0x17: {  	s4 =	simm.s32 $0x1BF5;
	[smem:$0x3FBB] =	sst s0  }
0x18: {  	s0 =	sld [smem:$0x3F9E];
	_ =	swait.ge [sflag:s4], $0x0  }
0x19: {  	s7 =	sld [smem:$0x3F9F]  }
0x1a: {  	s8 =	sadd.s32 $0xFFFFE003, lr  }
0x1b: {  	s9 =	sadd.s32 $0xFFFFFEF7, lr;
	s5 =	simm.s32 $0xFFFFFFFF;
	p2 =	slt.u32 s8, $0xFFFFF086  }
0x1c: {  	p1 =	slt.u32 s9, $0xF7A;
	s5 =	simm.s32 @!p2 $0x0  }
0x1d: {  	s5 =	simm.s32 @p1 $0x1;
	p0 =	seq.s32 s7, s2  }
0x1e: {  	s7 =	smul.u32 @!p0 $0xF7A, s2;
	p2 =	seq.s32 @!p0 s5, $0x0  }
0x1f: {  	s9 =	smul.u32 $0xF7A, s1;
	s8 =	simm.s32 @!p0 $0x1BF5;
	p2 =	por !p2, p0  }
0x20: {  	[sflag:s8] =	ssyncset.s32 @!p0 $0xFFFFF086;
	s6 =	sadd.s32 @!p0 s3, s7;
	s7 =	simm.s32 @!p0 $0x108  }
0x21: {  	s3 =	sadd.s32 s3, s9;
	s6 =	sadd.s32 @!p0 $0x88, s6;
	s7 =	simm.s32 @p2 $0x1082  }
0x22: {  	[simem:s7], [sflag:s8] =	dma.local @!p0 [hbm:s6], $0xF7A  }
0x23: {  	s9 =	sor.u32 $0xD0000000, s2;
	s6 =	simm.s32 $0x108;
	_ =	swait.ge @!p0 [sflag:s8], $0x0  }
0x24: {  	s3 =	sadd.s32 $0x88, s3;
	s6 =	simm.s32 @!p1 $0x1082;
	[sflag:s4] =	ssyncset.s32 $0xFFFFF086  }
0x25: {  	[simem:s6], [sflag:s4] =	dma.local [hbm:s3], $0xF7A  }
0x26: {  	[smem:$0x3F9F] =	sst s1;
	(tag) =	ssettag s2;
	_ =	strace s9  }
0x27: {  	s1 =	sld [smem:$0x3FAF]  }
0x28: {  	s2 =	sld [smem:$0x3FB0]  }
0x29: {  	s4 =	sld [smem:$0x3FB2]  }
0x2a: {  	p0 =	seq.s32 s5, $0x0;
	s5 =	sld [smem:$0x3FB3]  }
0x2b: {  	s6 =	sld [smem:$0x3FB4]  }
0x2c: {  	s7 =	sld [smem:$0x3FB5]  }
0x2d: {  	s3 =	simm.s32 $0x108;
	s8 =	sld [smem:$0x3FB6]  }
0x2e: {  	s3 =	simm.s32 @!p0 $0x1082;
	s9 =	sld [smem:$0x3FB7]  }
0x2f: {  	lr =	sadd.s32 s0, s3;
	s0 =	sld [smem:$0x3FAE]  }
0x30: {  	s3 =	sld [smem:$0x3FB1]  }
0x31: {  	[smem:$0x3FBA] =	sst s10  }
0x32: {  	s10 =	sld [smem:$0x3FB8];
	_ =	sdelay $0x3  }
0x33: {  	p0 =	seq.s32 s10, $0x1;
	s10 =	sld [smem:$0x3FBA];
	_ =	sdelay $0x3  }
0x34: {  	[smem:$0x3FBA] =	sst s10  }
0x35: {  	s10 =	sld [smem:$0x3FB9];
	_ =	sdelay $0x3  }
0x36: {  	p1 =	seq.s32 s10, $0x1;
	s10 =	sld [smem:$0x3FBA];
	_ =	sdelay $0x3  }
0x37: {  	[smem:$0x3FBA] =	sst s10  }
0x38: {  	s10 =	sld [smem:$0x3FBB]  }
0x39: {  	_ = 	snop;
	(pc) =	sbr.ind lr, $3  }
0x3a: {  	_ = 	snop  }
0x3b: {  	_ = 	snop  }
0x3c: {  	p2 =	seq.s32 s10, $0x1;
	s10 =	sld [smem:$0x3FBA]  }
0x3d: {  	_ =	shalt  }
0x3e: {  	_ =	shalt  }
0x3f: {  	_ =	shalt  }
0x40: {  	_ =	shalt  }
0x41: {  	_ =	shalt  }
0x42: {  	_ =	shalt  }
0x43: {  	_ =	shalt  }
0x44: {  	_ =	shalt  }
0x45: {  	_ =	shalt  }
0x46: {  	_ =	shalt  }
0x47: {  	_ =	shalt  }
0x48: {  	_ =	shalt  }
0x49: {  	_ =	shalt  }
0x4a: {  	_ =	shalt  }
0x4b: {  	_ =	shalt  }
0x4c: {  	_ =	shalt  }
0x4d: {  	_ =	shalt  }
0x4e: {  	_ =	shalt  }
0x4f: {  	_ =	shalt  }
0x50: {  	_ =	shalt  }
0x51: {  	_ =	shalt  }
0x52: {  	_ =	shalt  }
0x53: {  	_ =	shalt  }
0x54: {  	_ =	shalt  }
0x55: {  	_ =	shalt  }
0x56: {  	_ =	shalt  }
0x57: {  	_ =	shalt  }
0x58: {  	_ =	shalt  }
0x59: {  	_ =	shalt  }
0x5a: {  	_ =	shalt  }
0x5b: {  	_ =	shalt  }
0x5c: {  	_ =	shalt  }
0x5d: {  	_ =	shalt  }
0x5e: {  	_ =	shalt  }
0x5f: {  	_ =	shalt  }
0x60: {  	_ =	shalt  }
0x61: {  	_ =	shalt  }
0x62: {  	_ =	shalt  }
0x63: {  	_ =	shalt  }
0x64: {  	_ =	shalt  }
0x65: {  	_ =	shalt  }
0x66: {  	_ =	shalt  }
0x67: {  	_ =	shalt  }
0x68: {  	_ =	shalt  }
0x69: {  	_ =	shalt  }
0x6a: {  	_ =	shalt  }
0x6b: {  	_ =	shalt  }
0x6c: {  	_ =	shalt  }
0x6d: {  	_ =	shalt  }
0x6e: {  	_ =	shalt  }
0x6f: {  	_ =	shalt  }
0x70: {  	_ =	shalt  }
0x71: {  	_ =	shalt  }
0x72: {  	_ =	shalt  }
0x73: {  	_ =	shalt  }
0x74: {  	_ =	shalt  }
0x75: {  	_ =	shalt  }
0x76: {  	_ =	shalt  }
0x77: {  	_ =	shalt  }
0x78: {  	_ =	shalt  }
0x79: {  	_ =	shalt  }
0x7a: {  	_ =	shalt  }
0x7b: {  	_ =	shalt  }
0x7c: {  	_ =	shalt  }
0x7d: {  	_ =	shalt  }
0x7e: {  	_ =	shalt  }
0x7f: {  	_ =	shalt  }
0x80: {  	_ =	shalt  }
0x81: {  	_ =	shalt  }
0x82: {  	_ =	shalt  }
0x83: {  	_ =	shalt  }
0x84: {  	_ =	shalt  }
0x85: {  	_ =	shalt  }
0x86: {  	_ =	shalt  }
0x87: {  	_ =	shalt  }
.Lfunc_end0:
.L_simem_size_0:
called_computation_lowered:
.L_overlay_start_0:
0x88: {  	s2 =	sld [smem:$0x3FD9]  }
0x89: {  	s3 =	sld [smem:$0x3FFE];
	_ =	sdelay $0x1  }
0x8a: {  	s1 =	srdreg.scid  }
0x8b: {  	s0 =	sand.u32 $0x1, s1  }
0x8c: {  	s17 =	sshll.u32 s0, $0xA;
	s2 =	sadd.s32 s3, s2  }
0x8d: {  	s2 =	sadd.s32 s2, s17  }
0x8e: {  	[smem:$0x3FC6] =	sst s2  }
0x8f: {  	_ = 	snop  }
0x90: {  	s2 =	sld [smem:$0x3FC8]  }
0x91: {  	s18 =	sld [smem:$0x3FD0];
	(tm) =	ssettm $0x1  }
0x92: {  	s4 =	sld [smem:$0x3FFB];
	_ =	sdelay $0x3  }
0x93: {  	_ =	strace s4  }
0x94: {  	s4 =	sld [smem:$0x3FFC];
	_ =	sdelay $0x3  }
0x95: {  	_ =	strace s4  }
0x96: {  	s4 =	sld [smem:$0x3FFD];
	_ =	sdelay $0x3  }
0x97: {  	_ =	strace s4  }
0x98: {  	_ =	strace $0x8FFFFFFF  }
0x99: {  	s19 =	sld [smem:$0x3FDB];
	_ =	sdelay $0x1  }
0x9a: {  	s5 =	simm.s32 $_scs_section_size  }
0x9b: {  	s6 =	simm.s32 $_size__tile_overlayer_lowered;
	s7 =	simm.s32 $_tile_overlayer_lowered  }
0x9c: {  	s22 =	simm.s32 $0x1BFF;
	s21 =	sshll.u32 s7, $0x1;
	s4 =	sadd.s32 s5, s19  }
0x9d: {  	s8 =	simm.s32 $0x0;
	s20 =	sshll.u32 s6, $0x1;
	s6 =	sadd.s32 s21, s4  }
0x9e: {  	[timem:s8], [sflag:s22] =	dma.local [hbm:s6], s20  }
0x9f: {  	_ =	swait.ge [sflag:s22], s20  }
0xa0: {  	s5 =	ssub.s32 $0x0, s20;
	[sflag:s22] =	ssyncset.done $0x0  }
0xa1: {  	[sflag:s22] =	ssyncadd.s32 s5;
	_ =	sdelay $0x1  }
0xa2: {  	s23 =	simm.s32 $0x1B8B  }
0xa3: {  	_ =	swait.ge [sflag:s23], $0x1  }
0xa4: {  	[sflag:s23] =	ssyncset.done $0x0  }
0xa5: {  	s25 =	simm.s32 $0x1B8E;
	s24 =	sld [smem:$0x3FFE];
	[sflag:s23] =	ssyncadd.s32 $0xFFFFFFFF  }
0xa6: {  	s26 =	simm.s32 $execute0_lowered;
	[smem:$0x3FD2] =	sst s25  }
0xa7: {  	s6 =	sshll.u32 s26, $0x1;
	_ =	strace $0x80000046;
	[dreg:$0x1] =	wrdreg $0xFFFFFFFF  }
0xa8: {  	s28 =	simm.s32 $_size_execute0_lowered;
	s4 =	sadd.s32 s4, s6;
	[dreg:$0x0] =	wrdreg $0x0  }
0xa9: {  	s6 =	sshll.u32 s28, $0x1;
	[dreg:$0x2] =	wrdreg s4  }
0xaa: {  	[dreg:$0x3] =	wrdreg s6  }
0xab: {  	[dreg:$0x4] =	wrdreg $0xC0  }
0xac: {  	_ =	task [dreg:s8], $0x5FFFF  }
0xad: {  	[dreg:$0x1] =	wrdreg $0xFFFFFFFF  }
0xae: {  	[dreg:$0x0] =	wrdreg $0x60  }
0xaf: {  	[dreg:$0x2] =	wrdreg s24  }
0xb0: {  	[dreg:$0x3] =	wrdreg s2  }
0xb1: {  	[dreg:$0x4] =	wrdreg s18  }
0xb2: {  	[dreg:$0x5] =	wrdreg $0x9  }
0xb3: {  	_ =	task.clear_ibuf [dreg:s8], $0x6FFFF;
	_ =	strace $0x90000046  }
0xb4: {  	s29 =	simm.s32 $0x9;
	_ =	strace $0x80000048  }
0xb5: {  	_ =	swait.ge [sflag:s29], $0x1  }
0xb6: {  	[sflag:s29] =	ssyncadd.s32 $0xFFFFFFFF  }
0xb7: {  	_ =	strace $0x90000048  }
0xb8: {  	_ =	sfence  }
0xb9: {  	s30 =	sld [smem:$0x0];
	_ =	sdelay $0x2  }
0xba: {  	s31 =	sshll.u32 s1, $0xD;
	s1 =	sshrl.u32 s1, $0x2  }
0xbb: {  	s3 =	sand.u32 $0x4000, s31;
	s1 =	sadd.s32 s1, s30  }
0xbc: {  	s0 =	sor.u32 s3, s0;
	s1 =	sshll.u32 s1, $0x11  }
0xbd: {  	s0 =	sor.u32 s1, s0  }
0xbe: {  	s0 =	sadd.s32 $0x8F2B, s0  }
0xbf: {  	[sflag:s0] =	ssyncadd.remote.s32 $0x1  }
0xc0: {  	_ =	sfence.sel $0xFFFF  }
0xc1: {  	[dreg:$0x0] =	wrdreg $0xFFFFFFFF;
	(pc) =	sbr.abs _section_cstart, $3  }
0xc2: {  	[dreg:$0x1] =	wrdreg $0xFFFFFFFF  }
0xc3: {  	_ =	task.clear_ibuf [dreg:s8], $0x2FFFF;
	_ =	strace $0x9FFFFFFF  }
0xc4: {  	(tm) =	ssettm $0x7FFFFFFF  }
0xc5: {  	_ =	shalt  }
tec
execute0_lowered:
.L_overlay_start_1:
0x0: {  	(tag) =	ssettag $0x1  }
0x1: {  	s4 =	rddreg [dreg:$0x0]  }
0x2: {  	s1 =	srdreg.scid;
	s2 =	rddreg [dreg:$0x1]  }
0x3: {  	s0 =	stileid.u32;
	s9 =	rddreg [dreg:$0x2];
	s3 =	simm.s32 $0x0  }
0x4: {  	s14 =	simm.s32 $0x1;
	s15 =	simm.s32 $0x3;
	s12 =	smul.u32 $0x32000, s0  }
0x5: {  	s16 =	simm.s32 $0x2;
	s6 =	sand.u32 $0x1, s1;
	s26 =	smul.u32 $0x190000, s0  }
0x6: {  	s17 =	simm.s32 $0x4;
	s24 =	sshll.u32 s0, $0x1;
	s28 =	smul.u32 $0xC8000, s6  }
0x7: {  	s1 =	rddreg [dreg:$0x3];
	s5 =	sor.u32 s6, s24;
	s13 =	smul.u32 $0x19000, s6  }
0x8: {  	s18 =	simm.s32 $0x0;
	[smem:$0x7FF] =	sst s3;
	s7 =	smul.u32 $0x380, s5  }
0x9: {  	s10 =	ssub.s32 $0x2, s6;
	_ =	strace $0x80000047;
	s8 =	smul.u32 $0xC8000, s5  }
0xa: {  	s11 =	smul.u32 $0x19000, s5;
	s25 =	sshrl.u32 s10, $0x1;
	s29 =	sadd.s32 s12, s9  }
0xb: {  	s12 =	simm.s32 $0x1C00;
	s5 =	ssub.s32 s10, s25;
	s10 =	simm.s32 $0x5  }
0xc: {  	s4 =	sadd.s32 s7, s4;
	s8 =	sshrl.u32 s8, $0x3;
	s5 =	smax.u32 s5, $0x1  }
0xd: {  	s7 =	sadd.s32 s28, s26;
	s30 =	sadd.s32 s11, s9;
	s11 =	simm.s32 $0x80  }
0xe: {  	s4 =	sadd.s32 $0x400, s4;
	s8 =	sadd.s32 s9, s8;
	s31 =	sshrl.u32 s7, $0x3  }
0xf: {  	s7 =	sadd.s32 $0x18800, s30;
	s6 =	sadd.s32 $0x18000, s8;
	s8 =	sadd.s32 s13, s29  }
0x10: {  	s9 =	sadd.s32 s31, s9;
	s13 =	simm.s32 $0x5C00;
	s8 =	sadd.s32 $0x800, s8  }
.LBB2_1:
0x11: {  	[tilespmem:s3], [sflag:$0x5] =	stream.linear.gather [hbm4b:s4+s3], $0x1900, $0x38;
	[tilespmem:$0x9C00] =	vst v63  }
0x12: {  	_ =	swait.ge [sflag:s10], $0x1900  }
0x13: {  	[sflag:s10] =	ssyncset.done $0x0  }
0x14: {  	[sflag:s10] =	ssyncadd.s32 $0xFFFFE700  }
0x15: {  	[tilespmem:s12], [sflag:$0x1] =	stream.indirect.gather [hbm4b:s2+s11], $0x80, s3, s11, $0xb8;
	[tilespmem:$0x9C00] =	vst v63  }
0x16: {  	_ = 	snop  }
0x17: {  	[tilespmem:s13], [sflag:$0x2] =	stream.indirect.gather [hbm4b:s2+s11], $0x80, s11, s11, $0xb8;
	[tilespmem:$0x9C00] =	vst v63  }
0x18: {  	_ =	swait.ge [sflag:s14], $0x4000  }
0x19: {  	[sflag:s14] =	ssyncset.done $0x0  }
0x1a: {  	s19 =	sadd.s32 $0x0, s9;
	[sflag:s14] =	ssyncadd.s32 $0xFFFFC000  }
0x1b: {  	[hbm4b:s19+s3] =	stream.linear.scatter [tilespmem:s12], [sflag:$0x3], $0x4000, $0x38;
	[tilespmem:$0x9C00] =	vst v63  }
0x1c: {  	_ =	swait.ge [sflag:s15], $0x4000  }
0x1d: {  	[sflag:s15] =	ssyncset.done $0x0  }
0x1e: {  	s30 =	simm.s32 $0x100;
	[sflag:s15] =	ssyncadd.s32 $0xFFFFC000  }
0x1f: {  	[tilespmem:s12], [sflag:$0x1] =	stream.indirect.gather [hbm4b:s2+s11], $0x80, s30, s11, $0xb8;
	[tilespmem:$0x9C00] =	vst v63  }
0x20: {  	_ =	swait.ge [sflag:s16], $0x4000  }
0x21: {  	[sflag:s16] =	ssyncset.done $0x0  }
0x22: {  	s31 =	sadd.s32 $0x0, s8;
	[sflag:s16] =	ssyncadd.s32 $0xFFFFC000  }
0x23: {  	[hbm4b:s31+s3] =	stream.linear.scatter [tilespmem:s13], [sflag:$0x4], $0x4000, $0x38;
	[tilespmem:$0x9C00] =	vst v63  }
0x24: {  	_ =	swait.ge [sflag:s17], $0x4000  }
0x25: {  	s20 =	simm.s32 $0x1000;
	[sflag:s17] =	ssyncset.done $0x0  }
0x26: {  	s21 =	simm.s32 $0x280;
	s19 =	simm.s32 $0x180;
	[sflag:s17] =	ssyncadd.s32 $0xFFFFC000  }
.LBB2_2:
0x27: {  	[tilespmem:s13], [sflag:$0x2] =	stream.indirect.gather [hbm4b:s2+s11], $0x80, s19, s11, $0xb8;
	[tilespmem:$0x9C00] =	vst v63  }
0x28: {  	s22 =	smov.u32 s20;
	s19 =	smov.u32 s21  }
0x29: {  	p0 =	sne.s32 s20, $0x17000;
	s20 =	sadd.s32 $0x1000, s20;
	_ =	swait.ge [sflag:s14], $0x4000  }
0x2a: {  	[sflag:s14] =	ssyncset.done $0x0  }
0x2b: {  	s23 =	sadd.s32 s22, s9;
	[sflag:s14] =	ssyncadd.s32 $0xFFFFC000  }
0x2c: {  	[hbm4b:s23+s3] =	stream.linear.scatter [tilespmem:s12], [sflag:$0x3], $0x4000, $0x38;
	[tilespmem:$0x9C00] =	vst v63  }
0x2d: {  	_ =	swait.ge [sflag:s15], $0x4000  }
0x2e: {  	[sflag:s15] =	ssyncset.done $0x0  }
0x2f: {  	s23 =	sadd.s32 $0xFFFFFF80, s21;
	[sflag:s15] =	ssyncadd.s32 $0xFFFFC000  }
0x30: {  	[tilespmem:s12], [sflag:$0x1] =	stream.indirect.gather [hbm4b:s2+s11], $0x80, s23, s11, $0xb8;
	[tilespmem:$0x9C00] =	vst v63  }
0x31: {  	_ =	swait.ge [sflag:s16], $0x4000  }
0x32: {  	[sflag:s16] =	ssyncset.done $0x0  }
.Ltmp0:
0x33: {  	s22 =	sadd.s32 s22, s8;
	[sflag:s16] =	ssyncadd.s32 $0xFFFFC000;
	(pc) =	sbr.rel @p0 .LBB2_2-.Ltmp0, $4  }
0x34: {  	[hbm4b:s22+s3] =	stream.linear.scatter [tilespmem:s13], [sflag:$0x4], $0x4000, $0x38;
	[tilespmem:$0x9C00] =	vst v63  }
0x35: {  	_ =	swait.ge [sflag:s17], $0x4000  }
0x36: {  	[sflag:s17] =	ssyncset.done $0x0  }
0x37: {  	s21 =	sadd.s32 $0x100, s21;
	[sflag:s17] =	ssyncadd.s32 $0xFFFFC000  }
0x38: {  	[tilespmem:s13], [sflag:$0x2] =	stream.indirect.gather [hbm4b:s2+s11], $0x80, s19, s11, $0xb8;
	[tilespmem:$0x9C00] =	vst v63  }
0x39: {  	_ =	swait.ge [sflag:s14], $0x4000  }
0x3a: {  	[sflag:s14] =	ssyncset.done $0x0  }
0x3b: {  	[sflag:s14] =	ssyncadd.s32 $0xFFFFC000  }
0x3c: {  	[hbm4b:s6+s3] =	stream.linear.scatter [tilespmem:s12], [sflag:$0x3], $0x4000, $0x38;
	[tilespmem:$0x9C00] =	vst v63  }
0x3d: {  	_ =	swait.ge [sflag:s15], $0x4000  }
0x3e: {  	[sflag:s15] =	ssyncset.done $0x0  }
0x3f: {  	[sflag:s15] =	ssyncadd.s32 $0xFFFFC000  }
0x40: {  	s18 =	sadd.s32 $0x1, s18;
	_ =	swait.ge [sflag:s16], $0x4000  }
0x41: {  	p0 =	sne.s32 s18, s5;
	[sflag:s16] =	ssyncset.done $0x0  }
.Ltmp1:
0x42: {  	[sflag:s16] =	ssyncadd.s32 $0xFFFFC000;
	(pc) =	sbr.rel @p0 .LBB2_1-.Ltmp1, $4  }
0x43: {  	[hbm4b:s7+s3] =	stream.linear.scatter [tilespmem:s13], [sflag:$0x4], $0x4000, $0x38;
	[tilespmem:$0x9C00] =	vst v63  }
0x44: {  	_ =	swait.ge [sflag:s17], $0x4000  }
0x45: {  	[sflag:s17] =	ssyncset.done $0x0  }
0x46: {  	[sflag:s17] =	ssyncadd.s32 $0xFFFFC000  }
0x47: {  	_ =	sfence.sel $0x180000  }
0x48: {  	[bflag:$0x0] =	sbarrier.arrive $0xFFFF  }
0x49: {  	p0 =	sne.s32 s0, $0x0;
	_ =	strace $0x90000047  }
0x4a: {  	s0 =	sadd.s32 @!p0 $0x100000, s1;
	[bflag:$0x2] =	sbarrier.arrive $0xFFFF  }
0x4b: {  	[sflag:s0] =	ssyncadd.tile.s32 @!p0 $0x1;
	_ =	shalt  }
.Lfunc_end2:
_tile_overlayer_lowered:
.L_overlay_start_2:
0x4c: {  	(tag) =	ssettag $0x2  }
0x4d: {  	s0 =	rddreg [dreg:$0x0];
	s2 =	stileid.u32  }
0x4e: {  	s1 =	rddreg [dreg:$0x1];
	p0 =	sne.s32 s2, $0x0  }
0x4f: {  	s3 =	rddreg [dreg:$0x2];
	[bflag:$0x3] =	sbarrier.arrive $0xFFFF;
	s2 =	simm.s32 @!p0 $0x1C05  }
0x50: {  	[timem:s3], [sflag:s2] =	dma.local @!p0 [hbm:s0], s1  }
0x51: {  	s0 =	simm.s32 @!p0 $0x5  }
0x52: {  	_ =	swait.ge @!p0 [sflag:s0], s1  }
0x53: {  	s1 =	ssub.s32 @!p0 $0x0, s1;
	[sflag:s0] =	ssyncset.done @!p0 $0x0  }
0x54: {  	[sflag:s0] =	ssyncadd.s32 @!p0 s1  }
0x55: {  	[bflag:$0x3] =	sbarrier.arrive $0xFFFF  }
0x56: {  	_ =	shalt  }

</sc_bundles>
